<compile_context>
chip_gen: v7x
topology: tpu7x:2x2x1
jax: 0.10.2.dev20260603
libtpu: 0.0.44.dev20260713+nightly
codegen_flags: <defaults>
</compile_context>

<pallas_src>
import functools

import jax
import jax.numpy as jnp
from jax import lax
from jax.experimental import pallas as pl
from jax.experimental.pallas import tpu as pltpu
from jax.experimental.pallas import tpu_sc as plsc

_B, _L = 8, 2048
_LANES = 16
_CHUNKS = _L // _LANES
_EXT_MAX_ID = 20030

_M0 = _LANES
_T0 = _LANES + _L


def _sc_body(mt_hbm, out_hbm, buf_v, out_v):
    wid = lax.axis_index("s")

    @pl.when(wid < _B)
    def _():
        buf_v[pl.ds(0, _LANES)] = jnp.zeros((_LANES,), jnp.int32)
        pltpu.sync_copy(mt_hbm.at[pl.ds(wid * 2 * _L, 2 * _L)],
                        buf_v.at[pl.ds(_LANES, 2 * _L)])

        lane15 = jnp.full((_LANES,), 15, jnp.int32)

        def body(i, carry):
            lz_v, n_v = carry
            base = i * _LANES
            idx = lax.iota(jnp.int32, _LANES) + base
            m_cur = buf_v[pl.ds(base + _M0, _LANES)]
            m_prev = buf_v[pl.ds(base + _M0 - 1, _LANES)]
            t_prev = buf_v[pl.ds(base + _T0 - 1, _LANES)]
            a = (m_cur == 1) & (m_prev == 1) & (t_prev <= _EXT_MAX_ID)
            v = jnp.where(a, -1, idx)
            y = jnp.maximum(plsc.cummax(v), lz_v)
            n = 1 - ((idx - y) & 1)
            c = plsc.cumsum(n) + n_v
            out_v[pl.ds(base, _LANES)] = c - 1
            return (y.at[lane15].get(mode="promise_in_bounds"),
                    c.at[lane15].get(mode="promise_in_bounds"))

        lax.fori_loop(0, _CHUNKS, body,
                      (jnp.full((_LANES,), -1, jnp.int32),
                       jnp.zeros((_LANES,), jnp.int32)), unroll=1)
        pltpu.sync_copy(out_v, out_hbm.at[pl.ds(wid * _L, _L)])


_sc_chunker = functools.partial(
    pl.kernel,
    out_type=jax.ShapeDtypeStruct((_B * _L,), jnp.int32),
    mesh=plsc.VectorSubcoreMesh(core_axis_name="c", subcore_axis_name="s",
                                num_cores=1, num_subcores=16),
    compiler_params=pltpu.CompilerParams(needs_layout_passes=False,
                                         skip_device_barrier=True,
                                         disable_bounds_checks=True,
                                         disable_semaphore_checks=True),
    scratch_types=[
        pltpu.VMEM((2 * _L + _LANES,), jnp.int32),
        pltpu.VMEM((_L,), jnp.int32),
    ],
)(_sc_body)


def kernel(inp, regular_tokens_mask, token_ids):
    del inp
    mt = jnp.stack([regular_tokens_mask, token_ids],
                   axis=1).reshape(2 * _B * _L)
    return _sc_chunker(mt).reshape(_B, _L)

# --- scband reference (transcript-rebuilt; emitter-appended) ---
"""Pipeline reference for scband-freq-chunker-14413910245440 (READ-ONLY COPY).

The authoritative reference and input builder live on the scoring server;
editing this copy changes nothing except your own understanding.
"""

import jax, jax.numpy as jnp
import numpy as np

RANK_FIRST = 1996
LOG_THRESHOLD = -10.0


def log_zipf_law(token_ids, rank_first=RANK_FIRST):
    # Zipf-law log likelihood (alpha=1, unnormalized):
    # log p(token) ~ -log(rank + rank_first)
    return -jnp.log(token_ids.astype(jnp.float32) + float(rank_first))


def setup_inputs(seed: int = 0) -> dict:
    key = jax.random.key(seed)
    k1, k2, k3 = jax.random.split(key, 3)
    B, L, D = 8, 2048, 768
    inp = jax.random.normal(k1, (B, L, D), dtype=jnp.float32)
    regular_tokens_mask = jax.random.randint(k2, (B, L), 0, 2).astype(jnp.int32)
    token_ids = jax.random.randint(k3, (B, L), 0, 50257).astype(jnp.int32)
    return {"inp": inp, "regular_tokens_mask": regular_tokens_mask, "token_ids": token_ids}


def _chunk_segments(keep, sums, log_threshold):
    # Faithful translation of the per-batch while-loop in FreqChunker.forward.
    # sums[b, i] = sum of token_log_likelihoods[b, :i]  (exclusive prefix sum)
    # A new chunk opens at position t iff the current chunk began on a
    # non-keep token (length-1 chunk), the log-likelihood mass since the
    # chunk start drops below log_threshold, or token t is non-keep.
    keep = keep.astype(bool)
    B, L = keep.shape

    def step(carry, xs):
        c, s_start, start_keep = carry
        s_t, m_t = xs
        new_chunk = (~start_keep) | ((s_t - s_start) < log_threshold) | (~m_t)
        c = c + new_chunk.astype(jnp.int32)
        s_start = jnp.where(new_chunk, s_t, s_start)
        start_keep = jnp.where(new_chunk, m_t, start_keep)
        return (c, s_start, start_keep), c

    init = (
        jnp.full((B,), -1, dtype=jnp.int32),
        jnp.zeros((B,), dtype=sums.dtype),
        jnp.zeros((B,), dtype=bool),
    )
    _, seg_t = jax.lax.scan(step, init, (sums.T, keep.T))
    return seg_t.T


def reference(inp, regular_tokens_mask, token_ids):
    # mask_special_tokens=True path: keep_mask = regular_tokens_mask == 1
    ll = log_zipf_law(token_ids, RANK_FIRST)
    csum = jnp.cumsum(ll, axis=1)
    sums = jnp.concatenate([jnp.zeros((ll.shape[0], 1), dtype=ll.dtype), csum[:, :-1]], axis=1)
    keep = regular_tokens_mask == 1
    seg = _chunk_segments(keep, sums, LOG_THRESHOLD)
    # Original returns ragged nested python index lists; we return the equivalent
    # dense chunk-segment-id array [B, L] (seg[b, t] = index of chunk containing token t).
    return jnp.asarray(seg)

if __name__ == "__main__":
    import jax
    _d = setup_inputs()
    print(jax.jit(kernel)(*tuple(_d.values())))

</pallas_src>

<mosaic_0001>
#map = affine_map<(d0, d1) -> (0)>
module attributes {stable_mosaic.version = 14 : i64} {
  func.func @_sc_body(%arg0: i32, %arg1: i32, %arg2: memref<32768xi32, #tpu.memory_space<hbm>>, %arg3: memref<16384xi32, #tpu.memory_space<hbm>>, %arg4: memref<4112xi32, #tpu.memory_space<vmem>>, %arg5: memref<2048xi32, #tpu.memory_space<vmem>>) attributes {dimension_semantics = [#tpu.dimension_semantics<core_parallel>, #tpu.dimension_semantics<subcore_parallel>], iteration_bounds = array<i64: 1, 16>, scalar_prefetch = 0 : i64, scratch_operands = 2 : i64, tpu.core_type = #tpu.core_type<sc_vector_subcore>, window_params = [{transform_indices = #map}, {transform_indices = #map}]} {
    %lt3A = arith.constant 8 : i32
    %lt3A_0 = arith.cmpi slt, %arg1, %lt3A : i32
    %convert_element_type3A = arith.extui %lt3A_0 : i1 to i32
    %cond3A = arith.constant 0 : i32
    %cond3A_1 = arith.cmpi ne, %convert_element_type3A, %cond3A : i32
    scf.if %cond3A_1 {
      %broadcast_in_dim3A = arith.constant 0 : i32
      %broadcast_in_dim3A_2 = vector.broadcast %broadcast_in_dim3A : i32 to vector<16xi32>
      %swap3A = arith.constant 0 : index
      %swap3A_3 = tpu.vector_load %arg4[%swap3A] {strides = array<i32>} : memref<4112xi32, #tpu.memory_space<vmem>>, vector<16xi32>,
      tpu.vector_store %arg4[%swap3A], %broadcast_in_dim3A_2 {strides = array<i32>} : memref<4112xi32, #tpu.memory_space<vmem>>, vector<16xi32>,
      %mul3A = arith.constant 2 : i32
      %mul3A_4 = arith.muli %arg1, %mul3A : i32
      %mul3A_5 = arith.constant 2048 : i32
      %mul3A_6 = arith.muli %mul3A_4, %mul3A_5 : i32
      "tpu.region"() ({
        %run_scoped3A = tpu.sem_alloc : memref<!tpu.dma_semaphore, #tpu.memory_space<semaphore_mem>>
        %dma_start3A = arith.constant 16 : i32
        %dma_start3A_20 = tpu.memref_slice %arg4[%dma_start3A] : memref<4112xi32, #tpu.memory_space<vmem>> -> memref<4096xi32, #tpu.memory_space<vmem>>
        %dma_start3A_21 = tpu.memref_slice %arg2[%mul3A_6] : memref<32768xi32, #tpu.memory_space<hbm>> -> memref<4096xi32, #tpu.memory_space<hbm>>
        %dma_start3A_22 = arith.constant 16 : i32
        %dma_start3A_23 = tpu.memref_slice %arg4[%dma_start3A_22] : memref<4112xi32, #tpu.memory_space<vmem>> -> memref<4096xi32, #tpu.memory_space<vmem>>
        %dma_start3A_24 = tpu.memref_slice %arg2[%mul3A_6] : memref<32768xi32, #tpu.memory_space<hbm>> -> memref<4096xi32, #tpu.memory_space<hbm>>
        tpu.enqueue_dma source(%dma_start3A_24 : memref<4096xi32, #tpu.memory_space<hbm>>) target(%dma_start3A_23 : memref<4096xi32, #tpu.memory_space<vmem>>) target_semaphore(%run_scoped3A : memref<!tpu.dma_semaphore, #tpu.memory_space<semaphore_mem>>)
        %dma_wait3A = arith.constant 16 : i32
        %dma_wait3A_25 = tpu.memref_slice %arg4[%dma_wait3A] : memref<4112xi32, #tpu.memory_space<vmem>> -> memref<4096xi32, #tpu.memory_space<vmem>>
        %dma_wait3A_26 = tpu.memref_slice %arg2[%mul3A_6] : memref<32768xi32, #tpu.memory_space<hbm>> -> memref<4096xi32, #tpu.memory_space<hbm>>
        %dma_wait3A_27 = arith.constant 16 : i32
        %dma_wait3A_28 = tpu.memref_slice %arg4[%dma_wait3A_27] : memref<4112xi32, #tpu.memory_space<vmem>> -> memref<4096xi32, #tpu.memory_space<vmem>>
        %dma_wait3A_29 = tpu.memref_slice %arg2[%mul3A_6] : memref<32768xi32, #tpu.memory_space<hbm>> -> memref<4096xi32, #tpu.memory_space<hbm>>
        tpu.wait_dma2 semaphore(%run_scoped3A : memref<!tpu.dma_semaphore, #tpu.memory_space<semaphore_mem>>) src(%dma_wait3A_29 : memref<4096xi32, #tpu.memory_space<hbm>>) dst(%dma_wait3A_28 : memref<4096xi32, #tpu.memory_space<vmem>>)
        tpu.yield
      }) : () -> ()
      %broadcast_in_dim3A_7 = arith.constant 15 : i32
      %broadcast_in_dim3A_8 = vector.broadcast %broadcast_in_dim3A_7 : i32 to vector<16xi32>
      %broadcast_in_dim3A_9 = arith.constant -1 : i32
      %broadcast_in_dim3A_10 = vector.broadcast %broadcast_in_dim3A_9 : i32 to vector<16xi32>
      %broadcast_in_dim3A_11 = arith.constant 0 : i32
      %broadcast_in_dim3A_12 = vector.broadcast %broadcast_in_dim3A_11 : i32 to vector<16xi32>
      %scan3A = arith.constant 0 : i32
      %scan3A_13 = arith.constant 128 : i32
      %scan3A_14 = arith.addi %scan3A, %scan3A_13 : i32
      %scan3A_15 = arith.constant 1 : i32
      %scan3A_16:2 = scf.for %scan3A_20 = %scan3A to %scan3A_14 step %scan3A_15 iter_args(%scan3A_21 = %broadcast_in_dim3A_10, %scan3A_22 = %broadcast_in_dim3A_12) -> (vector<16xi32>, vector<16xi32>)  : i32 {
        %mul3A_23 = arith.constant 16 : i32
        %mul3A_24 = arith.muli %scan3A_20, %mul3A_23 : i32
        %iota3A = tpu.iota {dimensions = array<i32: 0>} : vector<16xi32>
        %add3A = vector.broadcast %mul3A_24 : i32 to vector<16xi32>
        %add3A_25 = arith.addi %iota3A, %add3A : vector<16xi32>
        %add3A_26 = arith.constant 16 : i32
        %add3A_27 = arith.addi %mul3A_24, %add3A_26 : i32
        %get3A = arith.index_cast %add3A_27 : i32 to index
        %get3A_28 = tpu.vector_load %arg4[%get3A] {strides = array<i32>} : memref<4112xi32, #tpu.memory_space<vmem>>, vector<16xi32>,
        %add3A_29 = arith.constant 16 : i32
        %add3A_30 = arith.addi %mul3A_24, %add3A_29 : i32
        %sub3A = arith.constant 1 : i32
        %sub3A_31 = arith.subi %add3A_30, %sub3A : i32
        %get3A_32 = arith.index_cast %sub3A_31 : i32 to index
        %get3A_33 = tpu.vector_load %arg4[%get3A_32] {strides = array<i32>} : memref<4112xi32, #tpu.memory_space<vmem>>, vector<16xi32>,
        %add3A_34 = arith.constant 2064 : i32
        %add3A_35 = arith.addi %mul3A_24, %add3A_34 : i32
        %sub3A_36 = arith.constant 1 : i32
        %sub3A_37 = arith.subi %add3A_35, %sub3A_36 : i32
        %get3A_38 = arith.index_cast %sub3A_37 : i32 to index
        %get3A_39 = tpu.vector_load %arg4[%get3A_38] {strides = array<i32>} : memref<4112xi32, #tpu.memory_space<vmem>>, vector<16xi32>,
        %eq3A = arith.constant 1 : i32
        %eq3A_40 = vector.broadcast %eq3A : i32 to vector<16xi32>
        %eq3A_41 = arith.cmpi eq, %get3A_28, %eq3A_40 : vector<16xi32>
        %eq3A_42 = arith.constant 1 : i32
        %eq3A_43 = vector.broadcast %eq3A_42 : i32 to vector<16xi32>
        %eq3A_44 = arith.cmpi eq, %get3A_33, %eq3A_43 : vector<16xi32>
        %and3A = arith.andi %eq3A_41, %eq3A_44 : vector<16xi1>
        %le3A = arith.constant 20030 : i32
        %le3A_45 = vector.broadcast %le3A : i32 to vector<16xi32>
        %le3A_46 = arith.cmpi sle, %get3A_39, %le3A_45 : vector<16xi32>
        %and3A_47 = arith.andi %and3A, %le3A_46 : vector<16xi1>
        %jit3A = arith.constant -1 : i32
        %broadcast_in_dim3A_48 = vector.broadcast %jit3A : i32 to vector<16xi32>
        %select_n3A = arith.select %and3A_47, %broadcast_in_dim3A_48, %add3A_25 : vector<16xi1>, vector<16xi32>
        %broadcast_in_dim3A_49 = arith.constant true
        %broadcast_in_dim3A_50 = vector.broadcast %broadcast_in_dim3A_49 : i1 to vector<16xi1>
        %masked_cummax3A = arith.constant -2147483648 : i32
        %masked_cummax3A_51 = vector.broadcast %masked_cummax3A : i32 to vector<16xi32>
        %masked_cummax3A_52 = arith.xori %select_n3A, %masked_cummax3A_51 : vector<16xi32>
        %masked_cummax3A_53 = tpu.scan <max>, %masked_cummax3A_52 masked %broadcast_in_dim3A_50 : vector<16xi32>, vector<16xi1> -> vector<16xi32>
        %masked_cummax3A_54 = arith.xori %masked_cummax3A_53, %masked_cummax3A_51 : vector<16xi32>
        %max3A = arith.maxsi %masked_cummax3A_54, %scan3A_21 : vector<16xi32>
        %sub3A_55 = arith.subi %add3A_25, %max3A : vector<16xi32>
        %and3A_56 = arith.constant 1 : i32
        %and3A_57 = vector.broadcast %and3A_56 : i32 to vector<16xi32>
        %and3A_58 = arith.andi %sub3A_55, %and3A_57 : vector<16xi32>
        %sub3A_59 = arith.constant 1 : i32
        %sub3A_60 = vector.broadcast %sub3A_59 : i32 to vector<16xi32>
        %sub3A_61 = arith.subi %sub3A_60, %and3A_58 : vector<16xi32>
        %broadcast_in_dim3A_62 = arith.constant true
        %broadcast_in_dim3A_63 = vector.broadcast %broadcast_in_dim3A_62 : i1 to vector<16xi1>
        %masked_cumsum3A = tpu.scan <sum>, %sub3A_61 masked %broadcast_in_dim3A_63 : vector<16xi32>, vector<16xi1> -> vector<16xi32>
        %add3A_64 = arith.addi %masked_cumsum3A, %scan3A_22 : vector<16xi32>
        %sub3A_65 = arith.constant 1 : i32
        %sub3A_66 = vector.broadcast %sub3A_65 : i32 to vector<16xi32>
        %sub3A_67 = arith.subi %add3A_64, %sub3A_66 : vector<16xi32>
        %swap3A_68 = arith.index_cast %mul3A_24 : i32 to index
        %swap3A_69 = tpu.vector_load %arg5[%swap3A_68] {strides = array<i32>} : memref<2048xi32, #tpu.memory_space<vmem>>, vector<16xi32>,
        tpu.vector_store %arg5[%swap3A_68], %sub3A_67 {strides = array<i32>} : memref<2048xi32, #tpu.memory_space<vmem>>, vector<16xi32>,
        %lt3A_70 = arith.constant 0 : i32
        %lt3A_71 = vector.broadcast %lt3A_70 : i32 to vector<16xi32>
        %lt3A_72 = arith.cmpi slt, %broadcast_in_dim3A_8, %lt3A_71 : vector<16xi32>
        %add3A_73 = arith.constant 16 : i32
        %add3A_74 = vector.broadcast %add3A_73 : i32 to vector<16xi32>
        %add3A_75 = arith.addi %broadcast_in_dim3A_8, %add3A_74 : vector<16xi32>
        %select_n3A_76 = arith.select %lt3A_72, %add3A_75, %broadcast_in_dim3A_8 : vector<16xi1>, vector<16xi32>
        %broadcast_in_dim3A_77 = vector.shape_cast %select_n3A_76 : vector<16xi32> to vector<16x1xi32>
        %gather3A = vector.shape_cast %broadcast_in_dim3A_77 : vector<16x1xi32> to vector<16xi32>
        %gather3A_78 = tpu.dynamic_gather %max3A[%gather3A] in [0] : vector<16xi32>, vector<16xi32> -> vector<16xi32>
        %lt3A_79 = arith.constant 0 : i32
        %lt3A_80 = vector.broadcast %lt3A_79 : i32 to vector<16xi32>
        %lt3A_81 = arith.cmpi slt, %broadcast_in_dim3A_8, %lt3A_80 : vector<16xi32>
        %add3A_82 = arith.constant 16 : i32
        %add3A_83 = vector.broadcast %add3A_82 : i32 to vector<16xi32>
        %add3A_84 = arith.addi %broadcast_in_dim3A_8, %add3A_83 : vector<16xi32>
        %select_n3A_85 = arith.select %lt3A_81, %add3A_84, %broadcast_in_dim3A_8 : vector<16xi1>, vector<16xi32>
        %broadcast_in_dim3A_86 = vector.shape_cast %select_n3A_85 : vector<16xi32> to vector<16x1xi32>
        %gather3A_87 = vector.shape_cast %broadcast_in_dim3A_86 : vector<16x1xi32> to vector<16xi32>
        %gather3A_88 = tpu.dynamic_gather %add3A_64[%gather3A_87] in [0] : vector<16xi32>, vector<16xi32> -> vector<16xi32>
        scf.yield %gather3A_78, %gather3A_88 : vector<16xi32>, vector<16xi32>
      }
      %scan3A_17 = arith.constant 128 : i32
      %mul3A_18 = arith.constant 2048 : i32
      %mul3A_19 = arith.muli %arg1, %mul3A_18 : i32
      "tpu.region"() ({
        %run_scoped3A = tpu.sem_alloc : memref<!tpu.dma_semaphore, #tpu.memory_space<semaphore_mem>>
        %dma_start3A = tpu.memref_slice %arg3[%mul3A_19] : memref<16384xi32, #tpu.memory_space<hbm>> -> memref<2048xi32, #tpu.memory_space<hbm>>
        %dma_start3A_20 = tpu.memref_slice %arg3[%mul3A_19] : memref<16384xi32, #tpu.memory_space<hbm>> -> memref<2048xi32, #tpu.memory_space<hbm>>
        tpu.enqueue_dma source(%arg5 : memref<2048xi32, #tpu.memory_space<vmem>>) target(%dma_start3A_20 : memref<2048xi32, #tpu.memory_space<hbm>>) target_semaphore(%run_scoped3A : memref<!tpu.dma_semaphore, #tpu.memory_space<semaphore_mem>>)
        %dma_wait3A = tpu.memref_slice %arg3[%mul3A_19] : memref<16384xi32, #tpu.memory_space<hbm>> -> memref<2048xi32, #tpu.memory_space<hbm>>
        %dma_wait3A_21 = tpu.memref_slice %arg3[%mul3A_19] : memref<16384xi32, #tpu.memory_space<hbm>> -> memref<2048xi32, #tpu.memory_space<hbm>>
        tpu.wait_dma2 semaphore(%run_scoped3A : memref<!tpu.dma_semaphore, #tpu.memory_space<semaphore_mem>>) src(%arg5 : memref<2048xi32, #tpu.memory_space<vmem>>) dst(%dma_wait3A_21 : memref<2048xi32, #tpu.memory_space<hbm>>)
        tpu.yield
      }) : () -> ()
    } else {
    }
    return
  }
}

</mosaic_0001>

<sc_bundles>
// kernel: kernel.3.cloned.1.call-start
scs
__scs_entry_jumppad:
0x0: {  	(pc) =	sbr.rel $0x88, $3  }
0x1: {  	(tag) =	ssettag $0x0;
	lr =	simm.s32 $0x1  }
0x2: {  	[smem:$0x3F9F] =	sst lr;
	_ =	strace $0xD0000000  }
0x3: {  	_ = 	snop  }
0x4: {  	_ = 	snop  }
0x5: {  	_ = 	snop  }
0x6: {  	_ = 	snop  }
0x7: {  	_ = 	snop  }
__scs_overlays_trampoline_lowered:
0x8: {  	[smem:$0x3FAE] =	sst s0  }
0x9: {  	[smem:$0x3FAF] =	sst s1  }
0xa: {  	[smem:$0x3FB0] =	sst s2  }
0xb: {  	[smem:$0x3FB1] =	sst s3  }
0xc: {  	[smem:$0x3FB2] =	sst s4  }
0xd: {  	[smem:$0x3FB3] =	sst s5  }
0xe: {  	[smem:$0x3FB4] =	sst s6  }
0xf: {  	[smem:$0x3FB5] =	sst s7  }
0x10: {  	[smem:$0x3FB6] =	sst s8  }
0x11: {  	[smem:$0x3FB7] =	sst s9;
	s0 =	simm.s32 @!p0 $0x0  }
0x12: {  	s1 =	sld [smem:$0x3F9D];
	s0 =	simm.s32 @p0 $0x1  }
0x13: {  	[smem:$0x3FB8] =	sst s0;
	s0 =	simm.s32 @!p1 $0x0  }
0x14: {  	s2 =	sld [smem:$0x3F9C];
	s0 =	simm.s32 @p1 $0x1  }
0x15: {  	[smem:$0x3FB9] =	sst s0;
	s0 =	simm.s32 @!p2 $0x0  }
0x16: {  	s3 =	sld [smem:$0x3FDB];
	s0 =	simm.s32 @p2 $0x1  }
0x17: {  	s4 =	simm.s32 $0x1BF5;
	[smem:$0x3FBB] =	sst s0  }
0x18: {  	s0 =	sld [smem:$0x3F9E];
	_ =	swait.ge [sflag:s4], $0x0  }
0x19: {  	s7 =	sld [smem:$0x3F9F]  }
0x1a: {  	s8 =	sadd.s32 $0xFFFFE003, lr  }
0x1b: {  	s9 =	sadd.s32 $0xFFFFFEF7, lr;
	s5 =	simm.s32 $0xFFFFFFFF;
	p2 =	slt.u32 s8, $0xFFFFF086  }
0x1c: {  	p1 =	slt.u32 s9, $0xF7A;
	s5 =	simm.s32 @!p2 $0x0  }
0x1d: {  	s5 =	simm.s32 @p1 $0x1;
	p0 =	seq.s32 s7, s2  }
0x1e: {  	s7 =	smul.u32 @!p0 $0xF7A, s2;
	p2 =	seq.s32 @!p0 s5, $0x0  }
0x1f: {  	s9 =	smul.u32 $0xF7A, s1;
	s8 =	simm.s32 @!p0 $0x1BF5;
	p2 =	por !p2, p0  }
0x20: {  	[sflag:s8] =	ssyncset.s32 @!p0 $0xFFFFF086;
	s6 =	sadd.s32 @!p0 s3, s7;
	s7 =	simm.s32 @!p0 $0x108  }
0x21: {  	s3 =	sadd.s32 s3, s9;
	s6 =	sadd.s32 @!p0 $0x88, s6;
	s7 =	simm.s32 @p2 $0x1082  }
0x22: {  	[simem:s7], [sflag:s8] =	dma.local @!p0 [hbm:s6], $0xF7A  }
0x23: {  	s9 =	sor.u32 $0xD0000000, s2;
	s6 =	simm.s32 $0x108;
	_ =	swait.ge @!p0 [sflag:s8], $0x0  }
0x24: {  	s3 =	sadd.s32 $0x88, s3;
	s6 =	simm.s32 @!p1 $0x1082;
	[sflag:s4] =	ssyncset.s32 $0xFFFFF086  }
0x25: {  	[simem:s6], [sflag:s4] =	dma.local [hbm:s3], $0xF7A  }
0x26: {  	[smem:$0x3F9F] =	sst s1;
	(tag) =	ssettag s2;
	_ =	strace s9  }
0x27: {  	s1 =	sld [smem:$0x3FAF]  }
0x28: {  	s2 =	sld [smem:$0x3FB0]  }
0x29: {  	s4 =	sld [smem:$0x3FB2]  }
0x2a: {  	p0 =	seq.s32 s5, $0x0;
	s5 =	sld [smem:$0x3FB3]  }
0x2b: {  	s6 =	sld [smem:$0x3FB4]  }
0x2c: {  	s7 =	sld [smem:$0x3FB5]  }
0x2d: {  	s3 =	simm.s32 $0x108;
	s8 =	sld [smem:$0x3FB6]  }
0x2e: {  	s3 =	simm.s32 @!p0 $0x1082;
	s9 =	sld [smem:$0x3FB7]  }
0x2f: {  	lr =	sadd.s32 s0, s3;
	s0 =	sld [smem:$0x3FAE]  }
0x30: {  	s3 =	sld [smem:$0x3FB1]  }
0x31: {  	[smem:$0x3FBA] =	sst s10  }
0x32: {  	s10 =	sld [smem:$0x3FB8];
	_ =	sdelay $0x3  }
0x33: {  	p0 =	seq.s32 s10, $0x1;
	s10 =	sld [smem:$0x3FBA];
	_ =	sdelay $0x3  }
0x34: {  	[smem:$0x3FBA] =	sst s10  }
0x35: {  	s10 =	sld [smem:$0x3FB9];
	_ =	sdelay $0x3  }
0x36: {  	p1 =	seq.s32 s10, $0x1;
	s10 =	sld [smem:$0x3FBA];
	_ =	sdelay $0x3  }
0x37: {  	[smem:$0x3FBA] =	sst s10  }
0x38: {  	s10 =	sld [smem:$0x3FBB]  }
0x39: {  	_ = 	snop;
	(pc) =	sbr.ind lr, $3  }
0x3a: {  	_ = 	snop  }
0x3b: {  	_ = 	snop  }
0x3c: {  	p2 =	seq.s32 s10, $0x1;
	s10 =	sld [smem:$0x3FBA]  }
0x3d: {  	_ =	shalt  }
0x3e: {  	_ =	shalt  }
0x3f: {  	_ =	shalt  }
0x40: {  	_ =	shalt  }
0x41: {  	_ =	shalt  }
0x42: {  	_ =	shalt  }
0x43: {  	_ =	shalt  }
0x44: {  	_ =	shalt  }
0x45: {  	_ =	shalt  }
0x46: {  	_ =	shalt  }
0x47: {  	_ =	shalt  }
0x48: {  	_ =	shalt  }
0x49: {  	_ =	shalt  }
0x4a: {  	_ =	shalt  }
0x4b: {  	_ =	shalt  }
0x4c: {  	_ =	shalt  }
0x4d: {  	_ =	shalt  }
0x4e: {  	_ =	shalt  }
0x4f: {  	_ =	shalt  }
0x50: {  	_ =	shalt  }
0x51: {  	_ =	shalt  }
0x52: {  	_ =	shalt  }
0x53: {  	_ =	shalt  }
0x54: {  	_ =	shalt  }
0x55: {  	_ =	shalt  }
0x56: {  	_ =	shalt  }
0x57: {  	_ =	shalt  }
0x58: {  	_ =	shalt  }
0x59: {  	_ =	shalt  }
0x5a: {  	_ =	shalt  }
0x5b: {  	_ =	shalt  }
0x5c: {  	_ =	shalt  }
0x5d: {  	_ =	shalt  }
0x5e: {  	_ =	shalt  }
0x5f: {  	_ =	shalt  }
0x60: {  	_ =	shalt  }
0x61: {  	_ =	shalt  }
0x62: {  	_ =	shalt  }
0x63: {  	_ =	shalt  }
0x64: {  	_ =	shalt  }
0x65: {  	_ =	shalt  }
0x66: {  	_ =	shalt  }
0x67: {  	_ =	shalt  }
0x68: {  	_ =	shalt  }
0x69: {  	_ =	shalt  }
0x6a: {  	_ =	shalt  }
0x6b: {  	_ =	shalt  }
0x6c: {  	_ =	shalt  }
0x6d: {  	_ =	shalt  }
0x6e: {  	_ =	shalt  }
0x6f: {  	_ =	shalt  }
0x70: {  	_ =	shalt  }
0x71: {  	_ =	shalt  }
0x72: {  	_ =	shalt  }
0x73: {  	_ =	shalt  }
0x74: {  	_ =	shalt  }
0x75: {  	_ =	shalt  }
0x76: {  	_ =	shalt  }
0x77: {  	_ =	shalt  }
0x78: {  	_ =	shalt  }
0x79: {  	_ =	shalt  }
0x7a: {  	_ =	shalt  }
0x7b: {  	_ =	shalt  }
0x7c: {  	_ =	shalt  }
0x7d: {  	_ =	shalt  }
0x7e: {  	_ =	shalt  }
0x7f: {  	_ =	shalt  }
0x80: {  	_ =	shalt  }
0x81: {  	_ =	shalt  }
0x82: {  	_ =	shalt  }
0x83: {  	_ =	shalt  }
0x84: {  	_ =	shalt  }
0x85: {  	_ =	shalt  }
0x86: {  	_ =	shalt  }
0x87: {  	_ =	shalt  }
.Lfunc_end0:
.L_simem_size_0:
called_computation_lowered:
.L_overlay_start_0:
0x88: {  	s0 =	sld [smem:$0x3FD9]  }
0x89: {  	s1 =	sld [smem:$0x3FFE];
	_ =	sdelay $0x3  }
0x8a: {  	s0 =	sadd.s32 s1, s0  }
0x8b: {  	[smem:$0x3FC6] =	sst s0  }
0x8c: {  	_ = 	snop  }
0x8d: {  	(tm) =	ssettm $0x1  }
0x8e: {  	s15 =	sld [smem:$0x3FFB];
	_ =	sdelay $0x3  }
0x8f: {  	_ =	strace s15  }
0x90: {  	s0 =	sld [smem:$0x3FFC];
	_ =	sdelay $0x3  }
0x91: {  	_ =	strace s0  }
0x92: {  	s0 =	sld [smem:$0x3FFD];
	_ =	sdelay $0x3  }
0x93: {  	_ =	strace s0  }
0x94: {  	_ =	strace $0x8FFFFFFF  }
0x95: {  	s16 =	sld [smem:$0x3FDB];
	_ =	sdelay $0x1  }
0x96: {  	s17 =	simm.s32 $_scs_section_size  }
0x97: {  	s2 =	simm.s32 $_size__tile_overlayer_lowered;
	s3 =	simm.s32 $_tile_overlayer_lowered  }
0x98: {  	s20 =	simm.s32 $0x1BFF;
	s19 =	sshll.u32 s3, $0x1;
	s0 =	sadd.s32 s17, s16  }
0x99: {  	s4 =	simm.s32 $0x0;
	s18 =	sshll.u32 s2, $0x1;
	s2 =	sadd.s32 s19, s0  }
0x9a: {  	[timem:s4], [sflag:s20] =	dma.local [hbm:s2], s18  }
0x9b: {  	_ =	swait.ge [sflag:s20], s18  }
0x9c: {  	s1 =	ssub.s32 $0x0, s18;
	[sflag:s20] =	ssyncset.done $0x0  }
0x9d: {  	[sflag:s20] =	ssyncadd.s32 s1;
	_ =	sdelay $0x1  }
0x9e: {  	s21 =	simm.s32 $0x1B8B  }
0x9f: {  	_ =	swait.ge [sflag:s21], $0x1  }
0xa0: {  	[sflag:s21] =	ssyncset.done $0x0  }
0xa1: {  	s23 =	simm.s32 $0x1B8E;
	s22 =	sld [smem:$0x3FFE];
	[sflag:s21] =	ssyncadd.s32 $0xFFFFFFFF  }
0xa2: {  	s24 =	simm.s32 $execute0_lowered;
	[smem:$0x3FD2] =	sst s23  }
0xa3: {  	s2 =	sshll.u32 s24, $0x1;
	_ =	strace $0x80000046;
	[dreg:$0x1] =	wrdreg $0xFFFFFFFF  }
0xa4: {  	s25 =	simm.s32 $_size_execute0_lowered;
	s0 =	sadd.s32 s0, s2;
	[dreg:$0x0] =	wrdreg $0x0  }
0xa5: {  	s2 =	sshll.u32 s25, $0x1;
	[dreg:$0x2] =	wrdreg s0  }
0xa6: {  	[dreg:$0x3] =	wrdreg s2  }
0xa7: {  	[dreg:$0x4] =	wrdreg $0xC0  }
0xa8: {  	_ =	task [dreg:s4], $0x5FFFF  }
0xa9: {  	[dreg:$0x1] =	wrdreg $0xFFFFFFFF  }
0xaa: {  	[dreg:$0x0] =	wrdreg $0x60  }
0xab: {  	[dreg:$0x2] =	wrdreg s22  }
0xac: {  	[dreg:$0x3] =	wrdreg $0x9  }
0xad: {  	_ =	task.clear_ibuf [dreg:s4], $0x4FFFF;
	_ =	strace $0x90000046  }
0xae: {  	s26 =	simm.s32 $0x9;
	_ =	strace $0x80000048  }
0xaf: {  	_ =	swait.ge [sflag:s26], $0x1  }
0xb0: {  	[sflag:s26] =	ssyncadd.s32 $0xFFFFFFFF  }
0xb1: {  	_ =	strace $0x90000048  }
0xb2: {  	_ =	sfence  }
0xb3: {  	s28 =	sld [smem:$0x0];
	_ =	sdelay $0x1  }
0xb4: {  	s29 =	srdreg.scid  }
0xb5: {  	s30 =	sshll.u32 s29, $0xD;
	s31 =	sshrl.u32 s29, $0x2  }
0xb6: {  	s1 =	sand.u32 $0x1, s29;
	s2 =	sand.u32 $0x4000, s30;
	s0 =	sadd.s32 s31, s28  }
0xb7: {  	s1 =	sor.u32 s2, s1;
	s0 =	sshll.u32 s0, $0x11  }
0xb8: {  	s0 =	sor.u32 s0, s1  }
0xb9: {  	s0 =	sadd.s32 $0x8F2B, s0  }
0xba: {  	[sflag:s0] =	ssyncadd.remote.s32 $0x1  }
0xbb: {  	_ =	sfence.sel $0xFFFF  }
0xbc: {  	[dreg:$0x0] =	wrdreg $0xFFFFFFFF;
	(pc) =	sbr.abs _section_cstart, $3  }
0xbd: {  	[dreg:$0x1] =	wrdreg $0xFFFFFFFF  }
0xbe: {  	_ =	task.clear_ibuf [dreg:s4], $0x2FFFF;
	_ =	strace $0x9FFFFFFF  }
0xbf: {  	(tm) =	ssettm $0x7FFFFFFF  }
tec
execute0_lowered:
.L_overlay_start_1:
0x0: {  	(tag) =	ssettag $0x1  }
0x1: {  	s1 =	stileid.u32  }
0x2: {  	p0 =	sgt.u32 s1, $0x7  }
.Ltmp0:
0x3: {  	_ = 	snop;
	(pc) =	sbr.rel @p0 .LBB2_4-.Ltmp0, $4  }
0x4: {  	_ = 	snop  }
0x5: {  	s3 =	rddreg [dreg:$0x0];
	s2 =	simm.s32 $0x0  }
0x6: {  	[smem:$0x7FF] =	sst s2  }
0x7: {  	s0 =	rddreg [dreg:$0x1];
	_ =	strace $0x80000047  }
0x8: {  	s4 =	sadd.s32 $0x400, s3;
	s5 =	sshll.u32 s1, $0x9;
	v2 =	vimm.s32 $0x0  }
0x9: {  	s26 =	simm.s32 $0x10;
	s28 =	simm.s32 $0x1;
	s4 =	sadd.s32 s4, s5;
	[tilespmem:$0x0] =	vst v2  }
0xa: {  	[tilespmem:s26], [sflag:$0x1] =	stream.linear.gather [hbm4b:s4+s2], $0x1000, $0x38;
	[tilespmem:$0x1880] =	vst v63  }
0xb: {  	_ =	swait.ge [sflag:s28], $0x1000  }
0xc: {  	[sflag:s28] =	ssyncset.done $0x0  }
0xd: {  	s29 =	simm.s32 $0x80F;
	[sflag:s28] =	ssyncadd.s32 $0xFFFFF000  }
0xe: {  	v1 =	vld [tilespmem:s29+$0xFFFFF801]  }
0xf: {  	v3 =	vld [tilespmem:s29+$0xFFFFF800]  }
0x10: {  	v4 =	vld [tilespmem:s29+$0x0];
	_ =	sdelay $0x3  }
0x11: {  	v0 =	vlaneseq.u32;
	vm0 =	veq.s32 v1, $0x1;
	vm1 =	veq.s32 v3, $0x1  }
0x12: {  	v1 =	vor.u32 $0x80000000, v0;
	vm14 =	vlt.s32 v4, $0x4E3F;
	vm0 =	vmand vm0, vm1  }
0x13: {  	v3 =	vor.u32 s2, v1;
	vm0 =	vmand vm0, vm14  }
0x14: {  	v3 =	vsel vm0, $0x7FFFFFFF, v3  }
0x15: {  	(xrf0) =	vmax.scan.msk.u32 $0xffff, v3;
	_ =	sdelay $0x5  }
0x16: {  	v3, _, _ =	vpop (xrf0)  }
0x17: {  	v4 =	vimm.s32 $0xFFFFFFFF;
	v3 =	vxor.u32 $0x80000000, v3  }
0x18: {  	vm15 =	vgt.s32 v3, v4  }
0x19: {  	v3 =	vsel vm15, v3, v4  }
0x1a: {  	v4 =	vsub.s32 v0, v3  }
0x1b: {  	v4 =	vandn.u32 $0x1, v4  }
0x1c: {  	(xrf0) =	vadd.scan.msk.s32 $0xffff, v4;
	_ =	sdelay $0x5  }
0x1d: {  	v4, _, _ =	vpop (xrf0)  }
0x1e: {  	v2 =	vadd.s32 v2, v4  }
0x1f: {  	s2 =	simm.s32 $0x1080;
	v4 =	vadd.s32 $0xFFFFFFFF, v2  }
0x20: {  	s30 =	sshll.u32 s1, $0x8;
	s5 =	simm.s32 $0x81F;
	[tilespmem:s2+$0x0] =	vst v4  }
0x21: {  	s31 =	sadd.s32 s30, s3;
	v4 =	vimm.s32 $0xF;
	v5 =	vld [tilespmem:s5+$0xFFFFF801]  }
0x22: {  	s6 =	simm.s32 $0x20;
	s3 =	sadd.s32 $0x1400, s31;
	s4 =	simm.s32 $0x10;
	v3 =	vperm.xlane v3, v4;
	v2 =	vperm.xlane v2, v4;
	v6 =	vld [tilespmem:s5+$0xFFFFF800]  }
.LBB2_2:
0x23: {  	p0 =	sne.s32 s6, $0x7F0;
	v7 =	vld [tilespmem:s5+$0x0];
	_ =	sdelay $0x3  }
0x24: {  	vm0 =	veq.s32 v5, $0x1;
	vm1 =	veq.s32 v6, $0x1  }
0x25: {  	vm0 =	vmand vm0, vm1;
	vm1 =	vlt.s32 v7, $0x4E3F  }
0x26: {  	v5 =	vor.u32 s4, v1;
	s4 =	smov.u32 s6;
	vm0 =	vmand vm0, vm1  }
0x27: {  	v5 =	vsel vm0, $0x7FFFFFFF, v5  }
0x28: {  	(xrf0) =	vmax.scan.msk.u32 $0xffff, v5;
	_ =	sdelay $0x5  }
0x29: {  	v5, _, _ =	vpop (xrf0)  }
0x2a: {  	v5 =	vxor.u32 $0x80000000, v5  }
0x2b: {  	vm0 =	vgt.s32 v5, v3  }
0x2c: {  	v3 =	vsel vm0, v5, v3  }
0x2d: {  	v5 =	vsub.s32 v0, v3;
	v3 =	vperm.xlane v3, v4  }
0x2e: {  	v5 =	vandn.u32 $0x1, v5  }
0x2f: {  	(xrf0) =	vadd.scan.msk.s32 $0xffff, v5;
	_ =	sdelay $0x5  }
0x30: {  	v5, _, _ =	vpop (xrf0)  }
.Ltmp1:
0x31: {  	v2 =	vadd.s32 v2, v5;
	(pc) =	sbr.rel @p0 .LBB2_2-.Ltmp1, $4  }
0x32: {  	s2 =	sadd.s32 $0x10, s2;
	v5 =	vadd.s32 $0xFFFFFFFF, v2;
	v2 =	vperm.xlane v2, v4  }
0x33: {  	s5 =	sadd.s32 $0x10, s5;
	[tilespmem:s2+$0x0] =	vst v5  }
0x34: {  	v5 =	vld [tilespmem:s5+$0xFFFFF801]  }
0x35: {  	s6 =	sadd.s32 $0x10, s6;
	v6 =	vld [tilespmem:s5+$0xFFFFF800]  }
0x36: {  	v4 =	vld [tilespmem:s5+$0x0];
	_ =	sdelay $0x3  }
0x37: {  	vm0 =	veq.s32 v5, $0x1;
	vm1 =	veq.s32 v6, $0x1  }
0x38: {  	vm0 =	vmand vm0, vm1;
	vm14 =	vlt.s32 v4, $0x4E3F  }
0x39: {  	v1 =	vor.u32 s4, v1;
	vm0 =	vmand vm0, vm14  }
0x3a: {  	v1 =	vsel vm0, $0x7FFFFFFF, v1  }
0x3b: {  	(xrf0) =	vmax.scan.msk.u32 $0xffff, v1;
	_ =	sdelay $0x5  }
0x3c: {  	v1, _, _ =	vpop (xrf0)  }
0x3d: {  	v1 =	vxor.u32 $0x80000000, v1  }
0x3e: {  	vm15 =	vgt.s32 v1, v3  }
0x3f: {  	v1 =	vsel vm15, v1, v3  }
0x40: {  	v0 =	vsub.s32 v0, v1  }
0x41: {  	v0 =	vandn.u32 $0x1, v0  }
0x42: {  	(xrf0) =	vadd.scan.msk.s32 $0xffff, v0;
	_ =	sdelay $0x5  }
0x43: {  	v0, _, _ =	vpop (xrf0)  }
0x44: {  	v0 =	vadd.s32 v2, v0  }
0x45: {  	s2 =	sadd.s32 $0x10, s2;
	v0 =	vadd.s32 $0xFFFFFFFF, v0  }
0x46: {  	s29 =	simm.s32 $0x0;
	s30 =	simm.s32 $0x1080;
	s31 =	simm.s32 $0x1;
	[tilespmem:s2+$0x0] =	vst v0  }
0x47: {  	[hbm4b:s3+s29] =	stream.linear.scatter [tilespmem:s30], [sflag:$0x1], $0x800, $0x38;
	[tilespmem:$0x1880] =	vst v63  }
0x48: {  	_ =	swait.ge [sflag:s31], $0x800  }
0x49: {  	[sflag:s31] =	ssyncset.done $0x0  }
0x4a: {  	[sflag:s31] =	ssyncadd.s32 $0xFFFFF800  }
.LBB2_4:
0x4b: {  	_ =	sfence.sel $0x180000  }
0x4c: {  	[bflag:$0x0] =	sbarrier.arrive $0xFFFF  }
0x4d: {  	p0 =	sne.s32 s1, $0x0;
	_ =	strace $0x90000047  }
0x4e: {  	s0 =	sadd.s32 @!p0 $0x100000, s0;
	[bflag:$0x2] =	sbarrier.arrive $0xFFFF  }
0x4f: {  	[sflag:s0] =	ssyncadd.tile.s32 @!p0 $0x1;
	_ =	shalt  }
.Lfunc_end2:
_tile_overlayer_lowered:
.L_overlay_start_2:
0x50: {  	(tag) =	ssettag $0x2  }
0x51: {  	s0 =	rddreg [dreg:$0x0];
	s2 =	stileid.u32  }
0x52: {  	s1 =	rddreg [dreg:$0x1];
	p0 =	sne.s32 s2, $0x0  }
0x53: {  	s3 =	rddreg [dreg:$0x2];
	[bflag:$0x3] =	sbarrier.arrive $0xFFFF;
	s2 =	simm.s32 @!p0 $0x1C01  }
0x54: {  	[timem:s3], [sflag:s2] =	dma.local @!p0 [hbm:s0], s1  }
0x55: {  	s0 =	simm.s32 @!p0 $0x1  }
0x56: {  	_ =	swait.ge @!p0 [sflag:s0], s1  }
0x57: {  	s1 =	ssub.s32 @!p0 $0x0, s1;
	[sflag:s0] =	ssyncset.done @!p0 $0x0  }
0x58: {  	[sflag:s0] =	ssyncadd.s32 @!p0 s1  }
0x59: {  	[bflag:$0x3] =	sbarrier.arrive $0xFFFF  }
0x5a: {  	_ =	shalt  }

</sc_bundles>
